<compile_context>
chip_gen: v7x
topology: tpu7x:2x2x1
jax: 0.10.2.dev20260603
libtpu: 0.0.44.dev20260713+nightly
codegen_flags: <defaults>
</compile_context>

<pallas_src>
import jax
import jax.numpy as jnp
from jax import lax
from jax.experimental import pallas as pl
from jax.experimental.pallas import tpu as pltpu
from jax.experimental.pallas import tpu_sc as plsc

H = 512
RPW = 8


def _swish(x):
    return x * (1.0 / (1.0 + jnp.exp(-x)))


def _sc_gather(rows_hbm, xa_hbm, xs_hbm, xn_hbm, ga_hbm, gs_hbm, gn_hbm,
               idx_v, rows_v, s_v, n_v, sem):
    cid = lax.axis_index("c")
    sid = lax.axis_index("s")
    nw = rows_hbm.shape[0] // RPW

    @pl.when((cid == 0) & (sid < nw))
    def _():
        base = sid * RPW
        pltpu.sync_copy(rows_hbm.at[pl.ds(base, RPW)], idx_v)
        pltpu.async_copy(xa_hbm.at[idx_v], rows_v, sem).wait()
        pltpu.sync_copy(rows_v, ga_hbm.at[pl.ds(base, RPW)])
        pltpu.async_copy(xs_hbm.at[idx_v], s_v, sem).wait()
        pltpu.sync_copy(s_v, gs_hbm.at[pl.ds(base, RPW)])
        pltpu.async_copy(xn_hbm.at[idx_v], n_v, sem).wait()
        pltpu.sync_copy(n_v, gn_hbm.at[pl.ds(base, RPW)])


def _dense_kernel(ga_ref, gs_ref, gn_ref, attr_W_ref, attr_b_ref,
                  seed_w_ref, node_w_ref, W1_ref, b1_ref, W2_ref, b2_ref,
                  value_w_ref, value_b_ref, ns_w_ref, stop_w_ref,
                  logits_ref, vals_ref):
    b = logits_ref.shape[0]
    n2 = 2 * b
    ri2 = jax.lax.broadcasted_iota(jnp.int32, (n2, n2), 0)
    ci2 = jax.lax.broadcasted_iota(jnp.int32, (n2, n2), 1)
    eye2 = (ri2 == ci2).astype(jnp.float32)
    gs = jnp.sum(eye2 * gs_ref[:].reshape(1, n2), axis=1, keepdims=True)
    gn = jnp.sum(eye2 * gn_ref[:].reshape(1, n2), axis=1, keepdims=True)

    attr_b = attr_b_ref[:].reshape(1, H)
    seed_w = seed_w_ref[:].reshape(1, H)
    node_w = node_w_ref[:].reshape(1, H)
    b1 = b1_ref[:].reshape(1, H)
    b2 = b2_ref[:].reshape(1, H)
    value_w = value_w_ref[:].reshape(1, H)
    ns_w = ns_w_ref[:].reshape(1, H)

    h = gs * seed_w + gn * node_w
    h = h + jnp.dot(ga_ref[:, :], attr_W_ref[:, :].T,
                    preferred_element_type=jnp.float32) + attr_b
    h = _swish(jnp.dot(h, W1_ref[:, :].T,
                       preferred_element_type=jnp.float32) + b1)
    h = _swish(jnp.dot(h, W2_ref[:, :].T,
                       preferred_element_type=jnp.float32) + b2)
    ns = jnp.sum(h * ns_w, axis=1, keepdims=True)
    ns0, ns1 = ns[:b], ns[b:]
    m = jnp.maximum(ns0, ns1)
    lse = m + jnp.log(jnp.exp(ns0 - m) + jnp.exp(ns1 - m))
    nl0, nl1 = ns0 - lse, ns1 - lse
    z = _swish(h[:b])
    s0c = jnp.sum(z * stop_w_ref[0:1, :], axis=1, keepdims=True)
    s1c = jnp.sum(z * stop_w_ref[1:2, :], axis=1, keepdims=True)
    m2 = jnp.maximum(s0c, s1c)
    lse2 = m2 + jnp.log(jnp.exp(s0c - m2) + jnp.exp(s1c - m2))
    sl0, sl1 = s0c - lse2, s1c - lse2
    vals = jnp.sum(z * value_w, axis=1, keepdims=True) + value_b_ref[0]
    logits_ref[:, :] = jnp.concatenate([nl0 + sl0, nl1 + sl0, sl1], axis=1)
    ri = jax.lax.broadcasted_iota(jnp.int32, (b, b), 0)
    ci = jax.lax.broadcasted_iota(jnp.int32, (b, b), 1)
    eye = (ri == ci).astype(jnp.float32)
    vals_ref[:] = jnp.sum(eye * vals, axis=0, keepdims=True).reshape(b)


def kernel(x_attrs, x_seeds, x_nodes, indptr, attr_W, attr_b, seed_w, node_w,
           W1, b1, W2, b2, pool_u, pool_b, value_w, value_b, ns_w, stop_w):
    B = indptr.shape[0]
    s0 = indptr[:, 0].astype(jnp.int32)
    rows = jnp.concatenate([s0, s0 + 1])

    mesh = plsc.VectorSubcoreMesh(core_axis_name="c", subcore_axis_name="s")
    ga, gs, gn = pl.kernel(
        _sc_gather,
        out_type=[
            jax.ShapeDtypeStruct((2 * B, H), jnp.float32),
            jax.ShapeDtypeStruct((2 * B,), jnp.float32),
            jax.ShapeDtypeStruct((2 * B,), jnp.float32),
        ],
        mesh=mesh,
        scratch_types=[
            pltpu.VMEM((RPW,), jnp.int32),
            pltpu.VMEM((RPW, H), jnp.float32),
            pltpu.VMEM((RPW,), jnp.float32),
            pltpu.VMEM((RPW,), jnp.float32),
            pltpu.SemaphoreType.DMA,
        ],
    )(rows, x_attrs, x_seeds, x_nodes)

    def _z1(i):
        return (0,)

    def _z2(i):
        return (0, 0)

    logits, vals = pl.pallas_call(
        _dense_kernel,
        grid=(1,),
        in_specs=[
            pl.BlockSpec((2 * B, H), _z2),
            pl.BlockSpec((2 * B,), _z1),
            pl.BlockSpec((2 * B,), _z1),
            pl.BlockSpec((H, H), _z2),
            pl.BlockSpec((H,), _z1),
            pl.BlockSpec((H,), _z1),
            pl.BlockSpec((H,), _z1),
            pl.BlockSpec((H, H), _z2),
            pl.BlockSpec((H,), _z1),
            pl.BlockSpec((H, H), _z2),
            pl.BlockSpec((H,), _z1),
            pl.BlockSpec((H,), _z1),
            pl.BlockSpec((1,), _z1),
            pl.BlockSpec((H,), _z1),
            pl.BlockSpec((2, H), _z2),
        ],
        out_specs=[
            pl.BlockSpec((B, 3), _z2),
            pl.BlockSpec((B,), _z1),
        ],
        out_shape=[
            jax.ShapeDtypeStruct((B, 3), jnp.float32),
            jax.ShapeDtypeStruct((B,), jnp.float32),
        ],
    )(ga, gs, gn, attr_W, attr_b, seed_w, node_w,
      W1, b1, W2, b2, value_w, value_b, ns_w, stop_w)

    return (logits, vals)

# --- scband reference (transcript-rebuilt; emitter-appended) ---
"""Pipeline reference for scband-agent-32341103739014 (READ-ONLY COPY).

The authoritative reference and input builder live on the scoring server;
editing this copy changes nothing except your own understanding.
"""

import jax, jax.numpy as jnp
import numpy as np

H = 512
T = 16384
B = 16

def swish(x):
    return x * jax.nn.sigmoid(x)

def setup_inputs(seed: int = 0):
    key = jax.random.key(seed)
    ks = jax.random.split(key, 16)
    s = 0.02
    x_attrs = jax.random.normal(ks[0], (T, H), dtype=jnp.float32)
    x_seeds = jax.random.normal(ks[1], (T,), dtype=jnp.float32)
    x_nodes = jax.random.normal(ks[2], (T,), dtype=jnp.float32)
    indptr = jnp.arange(B * 3, dtype=jnp.int32).reshape(B, 3)
    attr_W = jax.random.normal(ks[3], (H, H), dtype=jnp.float32) * s
    attr_b = jax.random.normal(ks[4], (H,), dtype=jnp.float32) * s
    seed_w = jax.random.normal(ks[5], (H,), dtype=jnp.float32) * s
    node_w = jax.random.normal(ks[6], (H,), dtype=jnp.float32) * s
    W1 = jax.random.normal(ks[7], (H, H), dtype=jnp.float32) * s
    b1 = jax.random.normal(ks[8], (H,), dtype=jnp.float32) * s
    W2 = jax.random.normal(ks[9], (H, H), dtype=jnp.float32) * s
    b2 = jax.random.normal(ks[10], (H,), dtype=jnp.float32) * s
    pool_u = jax.random.normal(ks[11], (H,), dtype=jnp.float32) * s
    pool_b = jax.random.normal(ks[12], (1,), dtype=jnp.float32) * s
    value_w = jnp.zeros((H,), dtype=jnp.float32)
    value_b = jax.random.normal(ks[13], (1,), dtype=jnp.float32) * s
    ns_w = jnp.zeros((H,), dtype=jnp.float32)
    stop_w = jnp.zeros((2, H), dtype=jnp.float32)
    return {"x_attrs": x_attrs, "x_seeds": x_seeds, "x_nodes": x_nodes, "indptr": indptr,
            "attr_W": attr_W, "attr_b": attr_b, "seed_w": seed_w, "node_w": node_w,
            "W1": W1, "b1": b1, "W2": W2, "b2": b2, "pool_u": pool_u, "pool_b": pool_b,
            "value_w": value_w, "value_b": value_b, "ns_w": ns_w, "stop_w": stop_w}

def reference(x_attrs, x_seeds, x_nodes, indptr, attr_W, attr_b, seed_w, node_w,
              W1, b1, W2, b2, pool_u, pool_b, value_w, value_b, ns_w, stop_w):
    # seed/node embeddings are Linear(1,H,bias=False): x[:,None] * w[None,:]
    h = x_seeds[:, None] * seed_w[None, :] + x_nodes[:, None] * node_w[None, :]
    # with_attr=True branch
    h = h + x_attrs @ attr_W.T + attr_b
    # input_mapping: two (Linear + Swish) blocks (norm_type=None)
    h = swish(h @ W1.T + b1)
    h = swish(h @ W2.T + b2)
    node_scores = h @ ns_w
    idx = indptr
    seg_len = 1
    ns_len = 2
    logits_list = []
    values = []
    for i in range(idx.shape[0]):
        s0 = idx[i, 0] + 0 * idx[i, 1] + 0 * idx[i, 2]
        seg = jax.lax.dynamic_slice_in_dim(h, s0, seg_len, axis=0)
        # SelfAttnPooling: score = Linear(H,1), softmax over sequence, weighted sum
        scores = seg @ pool_u + pool_b[0]
        attn = jax.nn.softmax(scores, axis=0)
        z = jnp.sum(attn[:, None] * seg, axis=0)
        z = swish(z)
        value = jnp.dot(z, value_w) + value_b[0]
        ns_seg = jax.lax.dynamic_slice_in_dim(node_scores, s0, ns_len, axis=0)
        nl = jax.nn.log_softmax(ns_seg, axis=0)
        sl = jax.nn.log_softmax(z @ stop_w.T, axis=0)
        logits_list.append(jnp.concatenate([nl + sl[0], sl[1:]], axis=0))
        values.append(value)
    return (jnp.stack(logits_list), jnp.stack(values))

if __name__ == "__main__":
    import jax
    _d = setup_inputs()
    print(jax.jit(kernel)(*tuple(_d.values())))

</pallas_src>

<mosaic_0001>
#map = affine_map<(d0, d1) -> (0)>
#map1 = affine_map<(d0, d1) -> (0, 0)>
module attributes {stable_mosaic.version = 14 : i64} {
  func.func @_sc_gather(%arg0: i32, %arg1: i32, %arg2: memref<32xi32, #tpu.memory_space<hbm>>, %arg3: memref<16384x512xf32, #tpu.memory_space<hbm>>, %arg4: memref<16384xf32, #tpu.memory_space<hbm>>, %arg5: memref<16384xf32, #tpu.memory_space<hbm>>, %arg6: memref<32x512xf32, #tpu.memory_space<hbm>>, %arg7: memref<32xf32, #tpu.memory_space<hbm>>, %arg8: memref<32xf32, #tpu.memory_space<hbm>>, %arg9: memref<8xi32, #tpu.memory_space<vmem>>, %arg10: memref<8x512xf32, #tpu.memory_space<vmem>>, %arg11: memref<8xf32, #tpu.memory_space<vmem>>, %arg12: memref<8xf32, #tpu.memory_space<vmem>>, %arg13: memref<!tpu.dma_semaphore, #tpu.memory_space<semaphore_mem>>) attributes {dimension_semantics = [#tpu.dimension_semantics<core_parallel>, #tpu.dimension_semantics<subcore_parallel>], iteration_bounds = array<i64: 2, 16>, scalar_prefetch = 0 : i64, scratch_operands = 5 : i64, tpu.core_type = #tpu.core_type<sc_vector_subcore>, window_params = [{transform_indices = #map}, {transform_indices = #map1}, {transform_indices = #map}, {transform_indices = #map}, {transform_indices = #map1}, {transform_indices = #map}, {transform_indices = #map}]} {
    %eq3A = arith.constant 0 : i32
    %eq3A_0 = arith.cmpi eq, %arg0, %eq3A : i32
    %lt3A = arith.constant 4 : i32
    %lt3A_1 = arith.cmpi slt, %arg1, %lt3A : i32
    %and3A = arith.andi %eq3A_0, %lt3A_1 : i1
    %convert_element_type3A = arith.extui %and3A : i1 to i32
    %cond3A = arith.constant 0 : i32
    %cond3A_2 = arith.cmpi ne, %convert_element_type3A, %cond3A : i32
    scf.if %cond3A_2 {
      %mul3A = arith.constant 8 : i32
      %mul3A_3 = arith.muli %arg1, %mul3A : i32
      "tpu.region"() ({
        %run_scoped3A = tpu.sem_alloc : memref<!tpu.dma_semaphore, #tpu.memory_space<semaphore_mem>>
        %dma_start3A_16 = tpu.memref_slice %arg2[%mul3A_3] : memref<32xi32, #tpu.memory_space<hbm>> -> memref<8xi32, #tpu.memory_space<hbm>>
        %dma_start3A_17 = tpu.memref_slice %arg2[%mul3A_3] : memref<32xi32, #tpu.memory_space<hbm>> -> memref<8xi32, #tpu.memory_space<hbm>>
        tpu.enqueue_dma source(%dma_start3A_17 : memref<8xi32, #tpu.memory_space<hbm>>) target(%arg9 : memref<8xi32, #tpu.memory_space<vmem>>) target_semaphore(%run_scoped3A : memref<!tpu.dma_semaphore, #tpu.memory_space<semaphore_mem>>)
        %dma_wait3A_18 = tpu.memref_slice %arg2[%mul3A_3] : memref<32xi32, #tpu.memory_space<hbm>> -> memref<8xi32, #tpu.memory_space<hbm>>
        %dma_wait3A_19 = tpu.memref_slice %arg2[%mul3A_3] : memref<32xi32, #tpu.memory_space<hbm>> -> memref<8xi32, #tpu.memory_space<hbm>>
        tpu.wait_dma2 semaphore(%run_scoped3A : memref<!tpu.dma_semaphore, #tpu.memory_space<semaphore_mem>>) src(%dma_wait3A_19 : memref<8xi32, #tpu.memory_space<hbm>>) dst(%arg9 : memref<8xi32, #tpu.memory_space<vmem>>)
        tpu.yield
      }) : () -> ()
      %dma_start3A = arith.constant 0 : i32
      %dma_start3A_4 = arith.constant 0 : i32
      %dma_start3A_5 = tpu.memref_slice %arg3[%dma_start3A, %dma_start3A_4] : memref<16384x512xf32, #tpu.memory_space<hbm>> -> memref<16384x512xf32, #tpu.memory_space<hbm>>
      tpu.enqueue_indirect_dma source(%dma_start3A_5 : memref<16384x512xf32, #tpu.memory_space<hbm>>) target(%arg10 : memref<8x512xf32, #tpu.memory_space<vmem>>) offsets(%arg9 : memref<8xi32, #tpu.memory_space<vmem>>) semaphore(%arg13 : memref<!tpu.dma_semaphore, #tpu.memory_space<semaphore_mem>>)
      %dma_wait3A = arith.constant 0 : i32
      %dma_wait3A_6 = arith.constant 0 : i32
      %dma_wait3A_7 = tpu.memref_slice %arg3[%dma_wait3A, %dma_wait3A_6] : memref<16384x512xf32, #tpu.memory_space<hbm>> -> memref<16384x512xf32, #tpu.memory_space<hbm>>
      tpu.wait_indirect_dma semaphore(%arg13 : memref<!tpu.dma_semaphore, #tpu.memory_space<semaphore_mem>>) src(%dma_wait3A_7 : memref<16384x512xf32, #tpu.memory_space<hbm>>) dst(%arg10 : memref<8x512xf32, #tpu.memory_space<vmem>>)
      "tpu.region"() ({
        %run_scoped3A = tpu.sem_alloc : memref<!tpu.dma_semaphore, #tpu.memory_space<semaphore_mem>>
        %dma_start3A_16 = arith.constant 0 : i32
        %dma_start3A_17 = tpu.memref_slice %arg6[%mul3A_3, %dma_start3A_16] : memref<32x512xf32, #tpu.memory_space<hbm>> -> memref<8x512xf32, #tpu.memory_space<hbm>>
        %dma_start3A_18 = arith.constant 0 : i32
        %dma_start3A_19 = tpu.memref_slice %arg6[%mul3A_3, %dma_start3A_18] : memref<32x512xf32, #tpu.memory_space<hbm>> -> memref<8x512xf32, #tpu.memory_space<hbm>>
        tpu.enqueue_dma source(%arg10 : memref<8x512xf32, #tpu.memory_space<vmem>>) target(%dma_start3A_19 : memref<8x512xf32, #tpu.memory_space<hbm>>) target_semaphore(%run_scoped3A : memref<!tpu.dma_semaphore, #tpu.memory_space<semaphore_mem>>)
        %dma_wait3A_20 = arith.constant 0 : i32
        %dma_wait3A_21 = tpu.memref_slice %arg6[%mul3A_3, %dma_wait3A_20] : memref<32x512xf32, #tpu.memory_space<hbm>> -> memref<8x512xf32, #tpu.memory_space<hbm>>
        %dma_wait3A_22 = arith.constant 0 : i32
        %dma_wait3A_23 = tpu.memref_slice %arg6[%mul3A_3, %dma_wait3A_22] : memref<32x512xf32, #tpu.memory_space<hbm>> -> memref<8x512xf32, #tpu.memory_space<hbm>>
        tpu.wait_dma2 semaphore(%run_scoped3A : memref<!tpu.dma_semaphore, #tpu.memory_space<semaphore_mem>>) src(%arg10 : memref<8x512xf32, #tpu.memory_space<vmem>>) dst(%dma_wait3A_23 : memref<8x512xf32, #tpu.memory_space<hbm>>)
        tpu.yield
      }) : () -> ()
      %dma_start3A_8 = arith.constant 0 : i32
      %dma_start3A_9 = tpu.memref_slice %arg4[%dma_start3A_8] : memref<16384xf32, #tpu.memory_space<hbm>> -> memref<16384xf32, #tpu.memory_space<hbm>>
      tpu.enqueue_indirect_dma source(%dma_start3A_9 : memref<16384xf32, #tpu.memory_space<hbm>>) target(%arg11 : memref<8xf32, #tpu.memory_space<vmem>>) offsets(%arg9 : memref<8xi32, #tpu.memory_space<vmem>>) semaphore(%arg13 : memref<!tpu.dma_semaphore, #tpu.memory_space<semaphore_mem>>)
      %dma_wait3A_10 = arith.constant 0 : i32
      %dma_wait3A_11 = tpu.memref_slice %arg4[%dma_wait3A_10] : memref<16384xf32, #tpu.memory_space<hbm>> -> memref<16384xf32, #tpu.memory_space<hbm>>
      tpu.wait_indirect_dma semaphore(%arg13 : memref<!tpu.dma_semaphore, #tpu.memory_space<semaphore_mem>>) src(%dma_wait3A_11 : memref<16384xf32, #tpu.memory_space<hbm>>) dst(%arg11 : memref<8xf32, #tpu.memory_space<vmem>>)
      "tpu.region"() ({
        %run_scoped3A = tpu.sem_alloc : memref<!tpu.dma_semaphore, #tpu.memory_space<semaphore_mem>>
        %dma_start3A_16 = tpu.memref_slice %arg7[%mul3A_3] : memref<32xf32, #tpu.memory_space<hbm>> -> memref<8xf32, #tpu.memory_space<hbm>>
        %dma_start3A_17 = tpu.memref_slice %arg7[%mul3A_3] : memref<32xf32, #tpu.memory_space<hbm>> -> memref<8xf32, #tpu.memory_space<hbm>>
        tpu.enqueue_dma source(%arg11 : memref<8xf32, #tpu.memory_space<vmem>>) target(%dma_start3A_17 : memref<8xf32, #tpu.memory_space<hbm>>) target_semaphore(%run_scoped3A : memref<!tpu.dma_semaphore, #tpu.memory_space<semaphore_mem>>)
        %dma_wait3A_18 = tpu.memref_slice %arg7[%mul3A_3] : memref<32xf32, #tpu.memory_space<hbm>> -> memref<8xf32, #tpu.memory_space<hbm>>
        %dma_wait3A_19 = tpu.memref_slice %arg7[%mul3A_3] : memref<32xf32, #tpu.memory_space<hbm>> -> memref<8xf32, #tpu.memory_space<hbm>>
        tpu.wait_dma2 semaphore(%run_scoped3A : memref<!tpu.dma_semaphore, #tpu.memory_space<semaphore_mem>>) src(%arg11 : memref<8xf32, #tpu.memory_space<vmem>>) dst(%dma_wait3A_19 : memref<8xf32, #tpu.memory_space<hbm>>)
        tpu.yield
      }) : () -> ()
      %dma_start3A_12 = arith.constant 0 : i32
      %dma_start3A_13 = tpu.memref_slice %arg5[%dma_start3A_12] : memref<16384xf32, #tpu.memory_space<hbm>> -> memref<16384xf32, #tpu.memory_space<hbm>>
      tpu.enqueue_indirect_dma source(%dma_start3A_13 : memref<16384xf32, #tpu.memory_space<hbm>>) target(%arg12 : memref<8xf32, #tpu.memory_space<vmem>>) offsets(%arg9 : memref<8xi32, #tpu.memory_space<vmem>>) semaphore(%arg13 : memref<!tpu.dma_semaphore, #tpu.memory_space<semaphore_mem>>)
      %dma_wait3A_14 = arith.constant 0 : i32
      %dma_wait3A_15 = tpu.memref_slice %arg5[%dma_wait3A_14] : memref<16384xf32, #tpu.memory_space<hbm>> -> memref<16384xf32, #tpu.memory_space<hbm>>
      tpu.wait_indirect_dma semaphore(%arg13 : memref<!tpu.dma_semaphore, #tpu.memory_space<semaphore_mem>>) src(%dma_wait3A_15 : memref<16384xf32, #tpu.memory_space<hbm>>) dst(%arg12 : memref<8xf32, #tpu.memory_space<vmem>>)
      "tpu.region"() ({
        %run_scoped3A = tpu.sem_alloc : memref<!tpu.dma_semaphore, #tpu.memory_space<semaphore_mem>>
        %dma_start3A_16 = tpu.memref_slice %arg8[%mul3A_3] : memref<32xf32, #tpu.memory_space<hbm>> -> memref<8xf32, #tpu.memory_space<hbm>>
        %dma_start3A_17 = tpu.memref_slice %arg8[%mul3A_3] : memref<32xf32, #tpu.memory_space<hbm>> -> memref<8xf32, #tpu.memory_space<hbm>>
        tpu.enqueue_dma source(%arg12 : memref<8xf32, #tpu.memory_space<vmem>>) target(%dma_start3A_17 : memref<8xf32, #tpu.memory_space<hbm>>) target_semaphore(%run_scoped3A : memref<!tpu.dma_semaphore, #tpu.memory_space<semaphore_mem>>)
        %dma_wait3A_18 = tpu.memref_slice %arg8[%mul3A_3] : memref<32xf32, #tpu.memory_space<hbm>> -> memref<8xf32, #tpu.memory_space<hbm>>
        %dma_wait3A_19 = tpu.memref_slice %arg8[%mul3A_3] : memref<32xf32, #tpu.memory_space<hbm>> -> memref<8xf32, #tpu.memory_space<hbm>>
        tpu.wait_dma2 semaphore(%run_scoped3A : memref<!tpu.dma_semaphore, #tpu.memory_space<semaphore_mem>>) src(%arg12 : memref<8xf32, #tpu.memory_space<vmem>>) dst(%dma_wait3A_19 : memref<8xf32, #tpu.memory_space<hbm>>)
        tpu.yield
      }) : () -> ()
    } else {
    }
    return
  }
}

module attributes {stable_mosaic.version = 14 : i64} {
  func.func @_dense_kernel(%arg0: i32, %arg1: memref<32x512xf32, #tpu.memory_space<vmem>>, %arg2: memref<32xf32, #tpu.memory_space<vmem>>, %arg3: memref<32xf32, #tpu.memory_space<vmem>>, %arg4: memref<512x512xf32, #tpu.memory_space<vmem>>, %arg5: memref<512xf32, #tpu.memory_space<vmem>>, %arg6: memref<512xf32, #tpu.memory_space<vmem>>, %arg7: memref<512xf32, #tpu.memory_space<vmem>>, %arg8: memref<512x512xf32, #tpu.memory_space<vmem>>, %arg9: memref<512xf32, #tpu.memory_space<vmem>>, %arg10: memref<512x512xf32, #tpu.memory_space<vmem>>, %arg11: memref<512xf32, #tpu.memory_space<vmem>>, %arg12: memref<512xf32, #tpu.memory_space<vmem>>, %arg13: memref<1xf32, #tpu.memory_space<vmem>>, %arg14: memref<512xf32, #tpu.memory_space<vmem>>, %arg15: memref<2x512xf32, #tpu.memory_space<vmem>>, %arg16: memref<16x3xf32, #tpu.memory_space<vmem>>, %arg17: memref<16xf32, #tpu.memory_space<vmem>>) attributes {dimension_semantics = [#tpu.dimension_semantics<arbitrary>], iteration_bounds = array<i64: 1>, scalar_prefetch = 0 : i64, scratch_operands = 0 : i64, tpu.core_type = #tpu.core_type<tc>, window_params = [{pipeline_mode = #tpu.pipeline_mode<synchronous>, transform_indices = @transform_0, window_bounds = array<i64: 32, 512>}, {pipeline_mode = #tpu.pipeline_mode<synchronous>, transform_indices = @transform_1, window_bounds = array<i64: 32>}, {pipeline_mode = #tpu.pipeline_mode<synchronous>, transform_indices = @transform_2, window_bounds = array<i64: 32>}, {pipeline_mode = #tpu.pipeline_mode<synchronous>, transform_indices = @transform_3, window_bounds = array<i64: 512, 512>}, {pipeline_mode = #tpu.pipeline_mode<synchronous>, transform_indices = @transform_4, window_bounds = array<i64: 512>}, {pipeline_mode = #tpu.pipeline_mode<synchronous>, transform_indices = @transform_5, window_bounds = array<i64: 512>}, {pipeline_mode = #tpu.pipeline_mode<synchronous>, transform_indices = @transform_6, window_bounds = array<i64: 512>}, {pipeline_mode = #tpu.pipeline_mode<synchronous>, transform_indices = @transform_7, window_bounds = array<i64: 512, 512>}, {pipeline_mode = #tpu.pipeline_mode<synchronous>, transform_indices = @transform_8, window_bounds = array<i64: 512>}, {pipeline_mode = #tpu.pipeline_mode<synchronous>, transform_indices = @transform_9, window_bounds = array<i64: 512, 512>}, {pipeline_mode = #tpu.pipeline_mode<synchronous>, transform_indices = @transform_10, window_bounds = array<i64: 512>}, {pipeline_mode = #tpu.pipeline_mode<synchronous>, transform_indices = @transform_11, window_bounds = array<i64: 512>}, {pipeline_mode = #tpu.pipeline_mode<synchronous>, transform_indices = @transform_12, window_bounds = array<i64: 1>}, {pipeline_mode = #tpu.pipeline_mode<synchronous>, transform_indices = @transform_13, window_bounds = array<i64: 512>}, {pipeline_mode = #tpu.pipeline_mode<synchronous>, transform_indices = @transform_14, window_bounds = array<i64: 2, 512>}, {pipeline_mode = #tpu.pipeline_mode<synchronous>, transform_indices = @transform_15, window_bounds = array<i64: 16, 3>}, {pipeline_mode = #tpu.pipeline_mode<synchronous>, transform_indices = @transform_16, window_bounds = array<i64: 16>}]} {
    %iota3A = tpu.iota {dimensions = array<i32: 0>} : vector<32x32xi32>
    %iota3A_0 = tpu.iota {dimensions = array<i32: 1>} : vector<32x32xi32>
    %eq3A = arith.cmpi eq, %iota3A, %iota3A_0 : vector<32x32xi32>
    %convert_element_type3A = arith.extui %eq3A : vector<32x32xi1> to vector<32x32xi32>
    %convert_element_type3A_1 = arith.sitofp %convert_element_type3A : vector<32x32xi32> to vector<32x32xf32>
    %get3A = arith.constant 0 : index
    %get3A_2 = vector.load %arg2[%get3A] : memref<32xf32, #tpu.memory_space<vmem>>, vector<32xf32>
    %reshape3A = vector.shape_cast %get3A_2 : vector<32xf32> to vector<1x32xf32>
    %mul3A = vector.broadcast %reshape3A : vector<1x32xf32> to vector<32x32xf32>
    %mul3A_3 = arith.mulf %convert_element_type3A_1, %mul3A : vector<32x32xf32>
    %reduce_sum3A = arith.constant dense<0.000000e+00> : vector<32xf32>
    %reduce_sum3A_4 = vector.multi_reduction <add>, %mul3A_3, %reduce_sum3A [1] : vector<32x32xf32> to vector<32xf32>
    %broadcast_in_dim3A = vector.shape_cast %reduce_sum3A_4 : vector<32xf32> to vector<32x1xf32>
    %get3A_5 = arith.constant 0 : index
    %get3A_6 = vector.load %arg3[%get3A_5] : memref<32xf32, #tpu.memory_space<vmem>>, vector<32xf32>
    %reshape3A_7 = vector.shape_cast %get3A_6 : vector<32xf32> to vector<1x32xf32>
    %mul3A_8 = vector.broadcast %reshape3A_7 : vector<1x32xf32> to vector<32x32xf32>
    %mul3A_9 = arith.mulf %convert_element_type3A_1, %mul3A_8 : vector<32x32xf32>
    %reduce_sum3A_10 = arith.constant dense<0.000000e+00> : vector<32xf32>
    %reduce_sum3A_11 = vector.multi_reduction <add>, %mul3A_9, %reduce_sum3A_10 [1] : vector<32x32xf32> to vector<32xf32>
    %broadcast_in_dim3A_12 = vector.shape_cast %reduce_sum3A_11 : vector<32xf32> to vector<32x1xf32>
    %get3A_13 = arith.constant 0 : index
    %get3A_14 = vector.load %arg5[%get3A_13] : memref<512xf32, #tpu.memory_space<vmem>>, vector<512xf32>
    %reshape3A_15 = vector.shape_cast %get3A_14 : vector<512xf32> to vector<1x512xf32>
    %get3A_16 = arith.constant 0 : index
    %get3A_17 = vector.load %arg6[%get3A_16] : memref<512xf32, #tpu.memory_space<vmem>>, vector<512xf32>
    %reshape3A_18 = vector.shape_cast %get3A_17 : vector<512xf32> to vector<1x512xf32>
    %get3A_19 = arith.constant 0 : index
    %get3A_20 = vector.load %arg7[%get3A_19] : memref<512xf32, #tpu.memory_space<vmem>>, vector<512xf32>
    %reshape3A_21 = vector.shape_cast %get3A_20 : vector<512xf32> to vector<1x512xf32>
    %get3A_22 = arith.constant 0 : index
    %get3A_23 = vector.load %arg9[%get3A_22] : memref<512xf32, #tpu.memory_space<vmem>>, vector<512xf32>
    %reshape3A_24 = vector.shape_cast %get3A_23 : vector<512xf32> to vector<1x512xf32>
    %get3A_25 = arith.constant 0 : index
    %get3A_26 = vector.load %arg11[%get3A_25] : memref<512xf32, #tpu.memory_space<vmem>>, vector<512xf32>
    %reshape3A_27 = vector.shape_cast %get3A_26 : vector<512xf32> to vector<1x512xf32>
    %get3A_28 = arith.constant 0 : index
    %get3A_29 = vector.load %arg12[%get3A_28] : memref<512xf32, #tpu.memory_space<vmem>>, vector<512xf32>
    %reshape3A_30 = vector.shape_cast %get3A_29 : vector<512xf32> to vector<1x512xf32>
    %get3A_31 = arith.constant 0 : index
    %get3A_32 = vector.load %arg14[%get3A_31] : memref<512xf32, #tpu.memory_space<vmem>>, vector<512xf32>
    %reshape3A_33 = vector.shape_cast %get3A_32 : vector<512xf32> to vector<1x512xf32>
    %mul3A_34 = vector.broadcast %broadcast_in_dim3A : vector<32x1xf32> to vector<32x512xf32>
    %mul3A_35 = vector.broadcast %reshape3A_18 : vector<1x512xf32> to vector<32x512xf32>
    %mul3A_36 = arith.mulf %mul3A_34, %mul3A_35 : vector<32x512xf32>
    %mul3A_37 = vector.broadcast %broadcast_in_dim3A_12 : vector<32x1xf32> to vector<32x512xf32>
    %mul3A_38 = vector.broadcast %reshape3A_21 : vector<1x512xf32> to vector<32x512xf32>
    %mul3A_39 = arith.mulf %mul3A_37, %mul3A_38 : vector<32x512xf32>
    %add3A = arith.addf %mul3A_36, %mul3A_39 : vector<32x512xf32>
    %get3A_40 = arith.constant 0 : index
    %get3A_41 = arith.constant 0 : index
    %get3A_42 = vector.load %arg1[%get3A_40, %get3A_41] : memref<32x512xf32, #tpu.memory_space<vmem>>, vector<32x512xf32>
    %get3A_43 = arith.constant 0 : index
    %get3A_44 = arith.constant 0 : index
    %get3A_45 = vector.load %arg4[%get3A_43, %get3A_44] : memref<512x512xf32, #tpu.memory_space<vmem>>, vector<512x512xf32>
    %transpose3A = tpu.transpose %get3A_45, [1, 0] : vector<512x512xf32> -> vector<512x512xf32>
    %dot_general3A = arith.constant dense<0.000000e+00> : vector<32x512xf32>
    %dot_general3A_46 = tpu.matmul %get3A_42, %transpose3A, %dot_general3A {dimension_numbers = #tpu.dot_dimension_numbers<[1], [0], [0], [1], [0, 0, 1, 1], [], []>, transpose_lhs_hint = false} : vector<32x512xf32>, vector<512x512xf32>, vector<32x512xf32> -> vector<32x512xf32>
    %add3A_47 = arith.addf %add3A, %dot_general3A_46 : vector<32x512xf32>
    %add3A_48 = vector.broadcast %reshape3A_15 : vector<1x512xf32> to vector<32x512xf32>
    %add3A_49 = arith.addf %add3A_47, %add3A_48 : vector<32x512xf32>
    %get3A_50 = arith.constant 0 : index
    %get3A_51 = arith.constant 0 : index
    %get3A_52 = vector.load %arg8[%get3A_50, %get3A_51] : memref<512x512xf32, #tpu.memory_space<vmem>>, vector<512x512xf32>
    %transpose3A_53 = tpu.transpose %get3A_52, [1, 0] : vector<512x512xf32> -> vector<512x512xf32>
    %dot_general3A_54 = arith.constant dense<0.000000e+00> : vector<32x512xf32>
    %dot_general3A_55 = tpu.matmul %add3A_49, %transpose3A_53, %dot_general3A_54 {dimension_numbers = #tpu.dot_dimension_numbers<[1], [0], [0], [1], [0, 0, 1, 1], [], []>, transpose_lhs_hint = false} : vector<32x512xf32>, vector<512x512xf32>, vector<32x512xf32> -> vector<32x512xf32>
    %add3A_56 = vector.broadcast %reshape3A_24 : vector<1x512xf32> to vector<32x512xf32>
    %add3A_57 = arith.addf %dot_general3A_55, %add3A_56 : vector<32x512xf32>
    %neg3A = arith.constant 0.000000e+00 : f32
    %neg3A_58 = vector.broadcast %neg3A : f32 to vector<32x512xf32>
    %neg3A_59 = arith.subf %neg3A_58, %add3A_57 : vector<32x512xf32>
    %exp3A = math.exp %neg3A_59 : vector<32x512xf32>
    %add3A_60 = arith.constant 1.000000e+00 : f32
    %add3A_61 = vector.broadcast %add3A_60 : f32 to vector<32x512xf32>
    %add3A_62 = arith.addf %add3A_61, %exp3A : vector<32x512xf32>
    %div3A = arith.constant 1.000000e+00 : f32
    %div3A_63 = vector.broadcast %div3A : f32 to vector<32x512xf32>
    %div3A_64 = arith.divf %div3A_63, %add3A_62 : vector<32x512xf32>
    %mul3A_65 = arith.mulf %add3A_57, %div3A_64 : vector<32x512xf32>
    %get3A_66 = arith.constant 0 : index
    %get3A_67 = arith.constant 0 : index
    %get3A_68 = vector.load %arg10[%get3A_66, %get3A_67] : memref<512x512xf32, #tpu.memory_space<vmem>>, vector<512x512xf32>
    %transpose3A_69 = tpu.transpose %get3A_68, [1, 0] : vector<512x512xf32> -> vector<512x512xf32>
    %dot_general3A_70 = arith.constant dense<0.000000e+00> : vector<32x512xf32>
    %dot_general3A_71 = tpu.matmul %mul3A_65, %transpose3A_69, %dot_general3A_70 {dimension_numbers = #tpu.dot_dimension_numbers<[1], [0], [0], [1], [0, 0, 1, 1], [], []>, transpose_lhs_hint = false} : vector<32x512xf32>, vector<512x512xf32>, vector<32x512xf32> -> vector<32x512xf32>
    %add3A_72 = vector.broadcast %reshape3A_27 : vector<1x512xf32> to vector<32x512xf32>
    %add3A_73 = arith.addf %dot_general3A_71, %add3A_72 : vector<32x512xf32>
    %neg3A_74 = arith.constant 0.000000e+00 : f32
    %neg3A_75 = vector.broadcast %neg3A_74 : f32 to vector<32x512xf32>
    %neg3A_76 = arith.subf %neg3A_75, %add3A_73 : vector<32x512xf32>
    %exp3A_77 = math.exp %neg3A_76 : vector<32x512xf32>
    %add3A_78 = arith.constant 1.000000e+00 : f32
    %add3A_79 = vector.broadcast %add3A_78 : f32 to vector<32x512xf32>
    %add3A_80 = arith.addf %add3A_79, %exp3A_77 : vector<32x512xf32>
    %div3A_81 = arith.constant 1.000000e+00 : f32
    %div3A_82 = vector.broadcast %div3A_81 : f32 to vector<32x512xf32>
    %div3A_83 = arith.divf %div3A_82, %add3A_80 : vector<32x512xf32>
    %mul3A_84 = arith.mulf %add3A_73, %div3A_83 : vector<32x512xf32>
    %mul3A_85 = vector.broadcast %reshape3A_33 : vector<1x512xf32> to vector<32x512xf32>
    %mul3A_86 = arith.mulf %mul3A_84, %mul3A_85 : vector<32x512xf32>
    %reduce_sum3A_87 = arith.constant dense<0.000000e+00> : vector<32xf32>
    %reduce_sum3A_88 = vector.multi_reduction <add>, %mul3A_86, %reduce_sum3A_87 [1] : vector<32x512xf32> to vector<32xf32>
    %broadcast_in_dim3A_89 = vector.shape_cast %reduce_sum3A_88 : vector<32xf32> to vector<32x1xf32>
    %slice3A = vector.extract_strided_slice %broadcast_in_dim3A_89 {offsets = [0, 0], sizes = [16, 1], strides = [1, 1]} : vector<32x1xf32> to vector<16x1xf32>
    %slice3A_90 = vector.extract_strided_slice %broadcast_in_dim3A_89 {offsets = [16, 0], sizes = [16, 1], strides = [1, 1]} : vector<32x1xf32> to vector<16x1xf32>
    %max3A = arith.maximumf %slice3A, %slice3A_90 : vector<16x1xf32>
    %sub3A = arith.subf %slice3A, %max3A : vector<16x1xf32>
    %exp3A_91 = math.exp %sub3A : vector<16x1xf32>
    %sub3A_92 = arith.subf %slice3A_90, %max3A : vector<16x1xf32>
    %exp3A_93 = math.exp %sub3A_92 : vector<16x1xf32>
    %add3A_94 = arith.addf %exp3A_91, %exp3A_93 : vector<16x1xf32>
    %log3A = math.log %add3A_94 : vector<16x1xf32>
    %add3A_95 = arith.addf %max3A, %log3A : vector<16x1xf32>
    %sub3A_96 = arith.subf %slice3A, %add3A_95 : vector<16x1xf32>
    %sub3A_97 = arith.subf %slice3A_90, %add3A_95 : vector<16x1xf32>
    %slice3A_98 = vector.extract_strided_slice %mul3A_84 {offsets = [0, 0], sizes = [16, 512], strides = [1, 1]} : vector<32x512xf32> to vector<16x512xf32>
    %neg3A_99 = arith.constant 0.000000e+00 : f32
    %neg3A_100 = vector.broadcast %neg3A_99 : f32 to vector<16x512xf32>
    %neg3A_101 = arith.subf %neg3A_100, %slice3A_98 : vector<16x512xf32>
    %exp3A_102 = math.exp %neg3A_101 : vector<16x512xf32>
    %add3A_103 = arith.constant 1.000000e+00 : f32
    %add3A_104 = vector.broadcast %add3A_103 : f32 to vector<16x512xf32>
    %add3A_105 = arith.addf %add3A_104, %exp3A_102 : vector<16x512xf32>
    %div3A_106 = arith.constant 1.000000e+00 : f32
    %div3A_107 = vector.broadcast %div3A_106 : f32 to vector<16x512xf32>
    %div3A_108 = arith.divf %div3A_107, %add3A_105 : vector<16x512xf32>
    %mul3A_109 = arith.mulf %slice3A_98, %div3A_108 : vector<16x512xf32>
    %get3A_110 = arith.constant 0 : index
    %get3A_111 = arith.constant 0 : index
    %get3A_112 = vector.load %arg15[%get3A_110, %get3A_111] : memref<2x512xf32, #tpu.memory_space<vmem>>, vector<1x512xf32>
    %mul3A_113 = vector.broadcast %get3A_112 : vector<1x512xf32> to vector<16x512xf32>
    %mul3A_114 = arith.mulf %mul3A_109, %mul3A_113 : vector<16x512xf32>
    %reduce_sum3A_115 = arith.constant dense<0.000000e+00> : vector<16xf32>
    %reduce_sum3A_116 = vector.multi_reduction <add>, %mul3A_114, %reduce_sum3A_115 [1] : vector<16x512xf32> to vector<16xf32>
    %broadcast_in_dim3A_117 = vector.shape_cast %reduce_sum3A_116 : vector<16xf32> to vector<16x1xf32>
    %get3A_118 = arith.constant 1 : index
    %get3A_119 = arith.constant 0 : index
    %get3A_120 = vector.load %arg15[%get3A_118, %get3A_119] : memref<2x512xf32, #tpu.memory_space<vmem>>, vector<1x512xf32>
    %mul3A_121 = vector.broadcast %get3A_120 : vector<1x512xf32> to vector<16x512xf32>
    %mul3A_122 = arith.mulf %mul3A_109, %mul3A_121 : vector<16x512xf32>
    %reduce_sum3A_123 = arith.constant dense<0.000000e+00> : vector<16xf32>
    %reduce_sum3A_124 = vector.multi_reduction <add>, %mul3A_122, %reduce_sum3A_123 [1] : vector<16x512xf32> to vector<16xf32>
    %broadcast_in_dim3A_125 = vector.shape_cast %reduce_sum3A_124 : vector<16xf32> to vector<16x1xf32>
    %max3A_126 = arith.maximumf %broadcast_in_dim3A_117, %broadcast_in_dim3A_125 : vector<16x1xf32>
    %sub3A_127 = arith.subf %broadcast_in_dim3A_117, %max3A_126 : vector<16x1xf32>
    %exp3A_128 = math.exp %sub3A_127 : vector<16x1xf32>
    %sub3A_129 = arith.subf %broadcast_in_dim3A_125, %max3A_126 : vector<16x1xf32>
    %exp3A_130 = math.exp %sub3A_129 : vector<16x1xf32>
    %add3A_131 = arith.addf %exp3A_128, %exp3A_130 : vector<16x1xf32>
    %log3A_132 = math.log %add3A_131 : vector<16x1xf32>
    %add3A_133 = arith.addf %max3A_126, %log3A_132 : vector<16x1xf32>
    %sub3A_134 = arith.subf %broadcast_in_dim3A_117, %add3A_133 : vector<16x1xf32>
    %sub3A_135 = arith.subf %broadcast_in_dim3A_125, %add3A_133 : vector<16x1xf32>
    %mul3A_136 = vector.broadcast %reshape3A_30 : vector<1x512xf32> to vector<16x512xf32>
    %mul3A_137 = arith.mulf %mul3A_109, %mul3A_136 : vector<16x512xf32>
    %reduce_sum3A_138 = arith.constant dense<0.000000e+00> : vector<16xf32>
    %reduce_sum3A_139 = vector.multi_reduction <add>, %mul3A_137, %reduce_sum3A_138 [1] : vector<16x512xf32> to vector<16xf32>
    %broadcast_in_dim3A_140 = vector.shape_cast %reduce_sum3A_139 : vector<16xf32> to vector<16x1xf32>
    %get3A_141 = arith.constant 0 : index
    %get3A_142 = vector.load %arg13[%get3A_141] : memref<1xf32, #tpu.memory_space<vmem>>, vector<1xf32>
    %get3A_143 = vector.extract %get3A_142[0] : f32 from vector<1xf32>
    %add3A_144 = vector.broadcast %get3A_143 : f32 to vector<16x1xf32>
    %add3A_145 = arith.addf %broadcast_in_dim3A_140, %add3A_144 : vector<16x1xf32>
    %add3A_146 = arith.addf %sub3A_96, %sub3A_134 : vector<16x1xf32>
    %add3A_147 = arith.addf %sub3A_97, %sub3A_134 : vector<16x1xf32>
    %concatenate3A = tpu.concatenate %add3A_146, %add3A_147, %sub3A_135 in 1 : vector<16x1xf32>, vector<16x1xf32>, vector<16x1xf32> -> vector<16x3xf32>
    %swap3A = arith.constant 0 : index
    %swap3A_148 = arith.constant 0 : index
    %swap3A_149 = vector.load %arg16[%swap3A, %swap3A_148] : memref<16x3xf32, #tpu.memory_space<vmem>>, vector<16x3xf32>
    tpu.vector_store %arg16[%swap3A, %swap3A_148], %concatenate3A {strides = array<i32>} : memref<16x3xf32, #tpu.memory_space<vmem>>, vector<16x3xf32>,
    %iota3A_150 = tpu.iota {dimensions = array<i32: 0>} : vector<16x16xi32>
    %iota3A_151 = tpu.iota {dimensions = array<i32: 1>} : vector<16x16xi32>
    %eq3A_152 = arith.cmpi eq, %iota3A_150, %iota3A_151 : vector<16x16xi32>
    %convert_element_type3A_153 = arith.extui %eq3A_152 : vector<16x16xi1> to vector<16x16xi32>
    %convert_element_type3A_154 = arith.sitofp %convert_element_type3A_153 : vector<16x16xi32> to vector<16x16xf32>
    %mul3A_155 = vector.broadcast %add3A_145 : vector<16x1xf32> to vector<16x16xf32>
    %mul3A_156 = arith.mulf %convert_element_type3A_154, %mul3A_155 : vector<16x16xf32>
    %reduce_sum3A_157 = arith.constant dense<0.000000e+00> : vector<16xf32>
    %reduce_sum3A_158 = vector.multi_reduction <add>, %mul3A_156, %reduce_sum3A_157 [0] : vector<16x16xf32> to vector<16xf32>
    %broadcast_in_dim3A_159 = vector.shape_cast %reduce_sum3A_158 : vector<16xf32> to vector<1x16xf32>
    %reshape3A_160 = vector.shape_cast %broadcast_in_dim3A_159 : vector<1x16xf32> to vector<16xf32>
    %swap3A_161 = arith.constant 0 : index
    %swap3A_162 = vector.load %arg17[%swap3A_161] : memref<16xf32, #tpu.memory_space<vmem>>, vector<16xf32>
    tpu.vector_store %arg17[%swap3A_161], %reshape3A_160 {strides = array<i32>} : memref<16xf32, #tpu.memory_space<vmem>>, vector<16xf32>,
    return
  }
  func.func @transform_0(%arg0: i32) -> (i32, i32) {
    %c0_i32 = arith.constant 0 : i32
    %c0_i32_0 = arith.constant 0 : i32
    %c0_i32_1 = arith.constant 0 : i32
    return %c0_i32, %c0_i32_0 : i32, i32
  }
  func.func @transform_1(%arg0: i32) -> i32 {
    %c0_i32 = arith.constant 0 : i32
    %c0_i32_0 = arith.constant 0 : i32
    return %c0_i32 : i32
  }
  func.func @transform_2(%arg0: i32) -> i32 {
    %c0_i32 = arith.constant 0 : i32
    %c0_i32_0 = arith.constant 0 : i32
    return %c0_i32 : i32
  }
  func.func @transform_3(%arg0: i32) -> (i32, i32) {
    %c0_i32 = arith.constant 0 : i32
    %c0_i32_0 = arith.constant 0 : i32
    %c0_i32_1 = arith.constant 0 : i32
    return %c0_i32, %c0_i32_0 : i32, i32
  }
  func.func @transform_4(%arg0: i32) -> i32 {
    %c0_i32 = arith.constant 0 : i32
    %c0_i32_0 = arith.constant 0 : i32
    return %c0_i32 : i32
  }
  func.func @transform_5(%arg0: i32) -> i32 {
    %c0_i32 = arith.constant 0 : i32
    %c0_i32_0 = arith.constant 0 : i32
    return %c0_i32 : i32
  }
  func.func @transform_6(%arg0: i32) -> i32 {
    %c0_i32 = arith.constant 0 : i32
    %c0_i32_0 = arith.constant 0 : i32
    return %c0_i32 : i32
  }
  func.func @transform_7(%arg0: i32) -> (i32, i32) {
    %c0_i32 = arith.constant 0 : i32
    %c0_i32_0 = arith.constant 0 : i32
    %c0_i32_1 = arith.constant 0 : i32
    return %c0_i32, %c0_i32_0 : i32, i32
  }
  func.func @transform_8(%arg0: i32) -> i32 {
    %c0_i32 = arith.constant 0 : i32
    %c0_i32_0 = arith.constant 0 : i32
    return %c0_i32 : i32
  }
  func.func @transform_9(%arg0: i32) -> (i32, i32) {
    %c0_i32 = arith.constant 0 : i32
    %c0_i32_0 = arith.constant 0 : i32
    %c0_i32_1 = arith.constant 0 : i32
    return %c0_i32, %c0_i32_0 : i32, i32
  }
  func.func @transform_10(%arg0: i32) -> i32 {
    %c0_i32 = arith.constant 0 : i32
    %c0_i32_0 = arith.constant 0 : i32
    return %c0_i32 : i32
  }
  func.func @transform_11(%arg0: i32) -> i32 {
    %c0_i32 = arith.constant 0 : i32
    %c0_i32_0 = arith.constant 0 : i32
    return %c0_i32 : i32
  }
  func.func @transform_12(%arg0: i32) -> i32 {
    %c0_i32 = arith.constant 0 : i32
    %c0_i32_0 = arith.constant 0 : i32
    return %c0_i32 : i32
  }
  func.func @transform_13(%arg0: i32) -> i32 {
    %c0_i32 = arith.constant 0 : i32
    %c0_i32_0 = arith.constant 0 : i32
    return %c0_i32 : i32
  }
  func.func @transform_14(%arg0: i32) -> (i32, i32) {
    %c0_i32 = arith.constant 0 : i32
    %c0_i32_0 = arith.constant 0 : i32
    %c0_i32_1 = arith.constant 0 : i32
    return %c0_i32, %c0_i32_0 : i32, i32
  }
  func.func @transform_15(%arg0: i32) -> (i32, i32) {
    %c0_i32 = arith.constant 0 : i32
    %c0_i32_0 = arith.constant 0 : i32
    %c0_i32_1 = arith.constant 0 : i32
    return %c0_i32, %c0_i32_0 : i32, i32
  }
  func.func @transform_16(%arg0: i32) -> i32 {
    %c0_i32 = arith.constant 0 : i32
    %c0_i32_0 = arith.constant 0 : i32
    return %c0_i32 : i32
  }
}

</mosaic_0001>

<sc_bundles>
// kernel: kernel.4.cloned.1.call-start
scs
__scs_entry_jumppad:
0x0: {  	(pc) =	sbr.rel $0x88, $3  }
0x1: {  	(tag) =	ssettag $0x0;
	lr =	simm.s32 $0x1  }
0x2: {  	[smem:$0x3F91] =	sst lr;
	_ =	strace $0xD0000000  }
0x3: {  	_ = 	snop  }
0x4: {  	_ = 	snop  }
0x5: {  	_ = 	snop  }
0x6: {  	_ = 	snop  }
0x7: {  	_ = 	snop  }
__scs_overlays_trampoline_lowered:
0x8: {  	[smem:$0x3FA0] =	sst s0  }
0x9: {  	[smem:$0x3FA1] =	sst s1  }
0xa: {  	[smem:$0x3FA2] =	sst s2  }
0xb: {  	[smem:$0x3FA3] =	sst s3  }
0xc: {  	[smem:$0x3FA4] =	sst s4  }
0xd: {  	[smem:$0x3FA5] =	sst s5  }
0xe: {  	[smem:$0x3FA6] =	sst s6  }
0xf: {  	[smem:$0x3FA7] =	sst s7  }
0x10: {  	[smem:$0x3FA8] =	sst s8  }
0x11: {  	[smem:$0x3FA9] =	sst s9;
	s0 =	simm.s32 @!p0 $0x0  }
0x12: {  	s1 =	sld [smem:$0x3F8F];
	s0 =	simm.s32 @p0 $0x1  }
0x13: {  	[smem:$0x3FAA] =	sst s0;
	s0 =	simm.s32 @!p1 $0x0  }
0x14: {  	s2 =	sld [smem:$0x3F8E];
	s0 =	simm.s32 @p1 $0x1  }
0x15: {  	[smem:$0x3FAB] =	sst s0;
	s0 =	simm.s32 @!p2 $0x0  }
0x16: {  	s3 =	sld [smem:$0x3FDB];
	s0 =	simm.s32 @p2 $0x1  }
0x17: {  	s4 =	simm.s32 $0x1BF5;
	[smem:$0x3FAD] =	sst s0  }
0x18: {  	s0 =	sld [smem:$0x3F90];
	_ =	swait.ge [sflag:s4], $0x0  }
0x19: {  	s7 =	sld [smem:$0x3F91]  }
0x1a: {  	s8 =	sadd.s32 $0xFFFFE003, lr  }
0x1b: {  	s9 =	sadd.s32 $0xFFFFFEF7, lr;
	s5 =	simm.s32 $0xFFFFFFFF;
	p2 =	slt.u32 s8, $0xFFFFF086  }
0x1c: {  	p1 =	slt.u32 s9, $0xF7A;
	s5 =	simm.s32 @!p2 $0x0  }
0x1d: {  	s5 =	simm.s32 @p1 $0x1;
	p0 =	seq.s32 s7, s2  }
0x1e: {  	s7 =	smul.u32 @!p0 $0xF7A, s2;
	p2 =	seq.s32 @!p0 s5, $0x0  }
0x1f: {  	s9 =	smul.u32 $0xF7A, s1;
	s8 =	simm.s32 @!p0 $0x1BF5;
	p2 =	por !p2, p0  }
0x20: {  	[sflag:s8] =	ssyncset.s32 @!p0 $0xFFFFF086;
	s6 =	sadd.s32 @!p0 s3, s7;
	s7 =	simm.s32 @!p0 $0x108  }
0x21: {  	s3 =	sadd.s32 s3, s9;
	s6 =	sadd.s32 @!p0 $0x88, s6;
	s7 =	simm.s32 @p2 $0x1082  }
0x22: {  	[simem:s7], [sflag:s8] =	dma.local @!p0 [hbm:s6], $0xF7A  }
0x23: {  	s9 =	sor.u32 $0xD0000000, s2;
	s6 =	simm.s32 $0x108;
	_ =	swait.ge @!p0 [sflag:s8], $0x0  }
0x24: {  	s3 =	sadd.s32 $0x88, s3;
	s6 =	simm.s32 @!p1 $0x1082;
	[sflag:s4] =	ssyncset.s32 $0xFFFFF086  }
0x25: {  	[simem:s6], [sflag:s4] =	dma.local [hbm:s3], $0xF7A  }
0x26: {  	[smem:$0x3F91] =	sst s1;
	(tag) =	ssettag s2;
	_ =	strace s9  }
0x27: {  	s1 =	sld [smem:$0x3FA1]  }
0x28: {  	s2 =	sld [smem:$0x3FA2]  }
0x29: {  	s4 =	sld [smem:$0x3FA4]  }
0x2a: {  	p0 =	seq.s32 s5, $0x0;
	s5 =	sld [smem:$0x3FA5]  }
0x2b: {  	s6 =	sld [smem:$0x3FA6]  }
0x2c: {  	s7 =	sld [smem:$0x3FA7]  }
0x2d: {  	s3 =	simm.s32 $0x108;
	s8 =	sld [smem:$0x3FA8]  }
0x2e: {  	s3 =	simm.s32 @!p0 $0x1082;
	s9 =	sld [smem:$0x3FA9]  }
0x2f: {  	lr =	sadd.s32 s0, s3;
	s0 =	sld [smem:$0x3FA0]  }
0x30: {  	s3 =	sld [smem:$0x3FA3]  }
0x31: {  	[smem:$0x3FAC] =	sst s10  }
0x32: {  	s10 =	sld [smem:$0x3FAA];
	_ =	sdelay $0x3  }
0x33: {  	p0 =	seq.s32 s10, $0x1;
	s10 =	sld [smem:$0x3FAC];
	_ =	sdelay $0x3  }
0x34: {  	[smem:$0x3FAC] =	sst s10  }
0x35: {  	s10 =	sld [smem:$0x3FAB];
	_ =	sdelay $0x3  }
0x36: {  	p1 =	seq.s32 s10, $0x1;
	s10 =	sld [smem:$0x3FAC];
	_ =	sdelay $0x3  }
0x37: {  	[smem:$0x3FAC] =	sst s10  }
0x38: {  	s10 =	sld [smem:$0x3FAD]  }
0x39: {  	_ = 	snop;
	(pc) =	sbr.ind lr, $3  }
0x3a: {  	_ = 	snop  }
0x3b: {  	_ = 	snop  }
0x3c: {  	p2 =	seq.s32 s10, $0x1;
	s10 =	sld [smem:$0x3FAC]  }
0x3d: {  	_ =	shalt  }
0x3e: {  	_ =	shalt  }
0x3f: {  	_ =	shalt  }
0x40: {  	_ =	shalt  }
0x41: {  	_ =	shalt  }
0x42: {  	_ =	shalt  }
0x43: {  	_ =	shalt  }
0x44: {  	_ =	shalt  }
0x45: {  	_ =	shalt  }
0x46: {  	_ =	shalt  }
0x47: {  	_ =	shalt  }
0x48: {  	_ =	shalt  }
0x49: {  	_ =	shalt  }
0x4a: {  	_ =	shalt  }
0x4b: {  	_ =	shalt  }
0x4c: {  	_ =	shalt  }
0x4d: {  	_ =	shalt  }
0x4e: {  	_ =	shalt  }
0x4f: {  	_ =	shalt  }
0x50: {  	_ =	shalt  }
0x51: {  	_ =	shalt  }
0x52: {  	_ =	shalt  }
0x53: {  	_ =	shalt  }
0x54: {  	_ =	shalt  }
0x55: {  	_ =	shalt  }
0x56: {  	_ =	shalt  }
0x57: {  	_ =	shalt  }
0x58: {  	_ =	shalt  }
0x59: {  	_ =	shalt  }
0x5a: {  	_ =	shalt  }
0x5b: {  	_ =	shalt  }
0x5c: {  	_ =	shalt  }
0x5d: {  	_ =	shalt  }
0x5e: {  	_ =	shalt  }
0x5f: {  	_ =	shalt  }
0x60: {  	_ =	shalt  }
0x61: {  	_ =	shalt  }
0x62: {  	_ =	shalt  }
0x63: {  	_ =	shalt  }
0x64: {  	_ =	shalt  }
0x65: {  	_ =	shalt  }
0x66: {  	_ =	shalt  }
0x67: {  	_ =	shalt  }
0x68: {  	_ =	shalt  }
0x69: {  	_ =	shalt  }
0x6a: {  	_ =	shalt  }
0x6b: {  	_ =	shalt  }
0x6c: {  	_ =	shalt  }
0x6d: {  	_ =	shalt  }
0x6e: {  	_ =	shalt  }
0x6f: {  	_ =	shalt  }
0x70: {  	_ =	shalt  }
0x71: {  	_ =	shalt  }
0x72: {  	_ =	shalt  }
0x73: {  	_ =	shalt  }
0x74: {  	_ =	shalt  }
0x75: {  	_ =	shalt  }
0x76: {  	_ =	shalt  }
0x77: {  	_ =	shalt  }
0x78: {  	_ =	shalt  }
0x79: {  	_ =	shalt  }
0x7a: {  	_ =	shalt  }
0x7b: {  	_ =	shalt  }
0x7c: {  	_ =	shalt  }
0x7d: {  	_ =	shalt  }
0x7e: {  	_ =	shalt  }
0x7f: {  	_ =	shalt  }
0x80: {  	_ =	shalt  }
0x81: {  	_ =	shalt  }
0x82: {  	_ =	shalt  }
0x83: {  	_ =	shalt  }
0x84: {  	_ =	shalt  }
0x85: {  	_ =	shalt  }
0x86: {  	_ =	shalt  }
0x87: {  	_ =	shalt  }
.Lfunc_end0:
.L_simem_size_0:
called_computation_lowered:
.L_overlay_start_0:
0x88: {  	s2 =	sld [smem:$0x3FD9]  }
0x89: {  	s3 =	sld [smem:$0x3FFE];
	_ =	sdelay $0x1  }
0x8a: {  	s1 =	srdreg.scid  }
0x8b: {  	s0 =	sand.u32 $0x1, s1  }
0x8c: {  	s14 =	sshll.u32 s0, $0xA;
	s2 =	sadd.s32 s3, s2  }
0x8d: {  	s2 =	sadd.s32 s2, s14  }
0x8e: {  	[smem:$0x3FB8] =	sst s2  }
0x8f: {  	_ = 	snop  }
0x90: {  	s2 =	sld [smem:$0x3FD0]  }
0x91: {  	s15 =	sld [smem:$0x3FC9]  }
0x92: {  	s4 =	sld [smem:$0x3FC8]  }
0x93: {  	s6 =	simm.s32 $0xA;
	s7 =	simm.s32 $0x10;
	s5 =	sld [smem:$0x3FC7]  }
0x94: {  	[smem:s7], [sflag:s6] =	dma.local [hbm:s2], $0x1  }
0x95: {  	_ =	swait.eq [sflag:s6], $0x1  }
0x96: {  	[sflag:s6] =	ssyncset.done $0x0  }
0x97: {  	s16 =	sld [smem:$0x10];
	[sflag:s6] =	ssyncadd.s32 $0xFFFFFFFF  }
0x98: {  	s17 =	sld [smem:$0x11];
	(tm) =	ssettm $0x1  }
0x99: {  	s18 =	sld [smem:$0x3FFB];
	_ =	sdelay $0x3  }
0x9a: {  	_ =	strace s18  }
0x9b: {  	s7 =	sld [smem:$0x3FFC];
	_ =	sdelay $0x3  }
0x9c: {  	_ =	strace s7  }
0x9d: {  	s7 =	sld [smem:$0x3FFD];
	_ =	sdelay $0x3  }
0x9e: {  	_ =	strace s7  }
0x9f: {  	_ =	strace $0x8FFFFFFF  }
0xa0: {  	s19 =	sld [smem:$0x3FDB];
	_ =	sdelay $0x1  }
0xa1: {  	s8 =	simm.s32 $_scs_section_size  }
0xa2: {  	s9 =	simm.s32 $_size__tile_overlayer_lowered;
	s10 =	simm.s32 $_tile_overlayer_lowered  }
0xa3: {  	s22 =	simm.s32 $0x1BFF;
	s21 =	sshll.u32 s10, $0x1;
	s7 =	sadd.s32 s8, s19  }
0xa4: {  	s11 =	simm.s32 $0x0;
	s20 =	sshll.u32 s9, $0x1;
	s9 =	sadd.s32 s21, s7  }
0xa5: {  	[timem:s11], [sflag:s22] =	dma.local [hbm:s9], s20  }
0xa6: {  	_ =	swait.ge [sflag:s22], s20  }
0xa7: {  	s8 =	ssub.s32 $0x0, s20;
	[sflag:s22] =	ssyncset.done $0x0  }
0xa8: {  	[sflag:s22] =	ssyncadd.s32 s8;
	_ =	sdelay $0x1  }
0xa9: {  	s23 =	simm.s32 $0x1B8B  }
0xaa: {  	_ =	swait.ge [sflag:s23], $0x1  }
0xab: {  	[sflag:s23] =	ssyncset.done $0x0  }
0xac: {  	s25 =	simm.s32 $0x1B8E;
	s24 =	sld [smem:$0x3FFE];
	[sflag:s23] =	ssyncadd.s32 $0xFFFFFFFF  }
0xad: {  	s26 =	simm.s32 $execute0_lowered;
	[smem:$0x3FD2] =	sst s25  }
0xae: {  	s9 =	sshll.u32 s26, $0x1;
	_ =	strace $0x80000046;
	[dreg:$0x1] =	wrdreg $0xFFFFFFFF  }
0xaf: {  	s28 =	simm.s32 $_size_execute0_lowered;
	s7 =	sadd.s32 s7, s9;
	[dreg:$0x0] =	wrdreg $0x0  }
0xb0: {  	s9 =	sshll.u32 s28, $0x1;
	[dreg:$0x2] =	wrdreg s7  }
0xb1: {  	[dreg:$0x3] =	wrdreg s9  }
0xb2: {  	[dreg:$0x4] =	wrdreg $0xC0  }
0xb3: {  	_ =	task [dreg:s11], $0x5FFFF  }
0xb4: {  	[dreg:$0x1] =	wrdreg $0xFFFFFFFF  }
0xb5: {  	[dreg:$0x0] =	wrdreg $0x60  }
0xb6: {  	[dreg:$0x2] =	wrdreg s17  }
0xb7: {  	[dreg:$0x3] =	wrdreg s15  }
0xb8: {  	[dreg:$0x4] =	wrdreg s4  }
0xb9: {  	[dreg:$0x5] =	wrdreg s5  }
0xba: {  	[dreg:$0x6] =	wrdreg s24  }
0xbb: {  	[dreg:$0x7] =	wrdreg s16  }
0xbc: {  	[dreg:$0x8] =	wrdreg $0x9  }
0xbd: {  	_ =	task.clear_ibuf [dreg:s11], $0x9FFFF;
	_ =	strace $0x90000046  }
0xbe: {  	s29 =	simm.s32 $0x9;
	_ =	strace $0x80000048  }
0xbf: {  	_ =	swait.ge [sflag:s29], $0x1  }
0xc0: {  	[sflag:s29] =	ssyncadd.s32 $0xFFFFFFFF  }
0xc1: {  	_ =	strace $0x90000048  }
0xc2: {  	_ =	sfence  }
0xc3: {  	s30 =	sld [smem:$0x0];
	_ =	sdelay $0x2  }
0xc4: {  	s31 =	sshll.u32 s1, $0xD;
	s1 =	sshrl.u32 s1, $0x2  }
0xc5: {  	s3 =	sand.u32 $0x4000, s31;
	s1 =	sadd.s32 s1, s30  }
0xc6: {  	s0 =	sor.u32 s3, s0;
	s1 =	sshll.u32 s1, $0x11  }
0xc7: {  	s0 =	sor.u32 s1, s0  }
0xc8: {  	s0 =	sadd.s32 $0x8F2B, s0  }
0xc9: {  	[sflag:s0] =	ssyncadd.remote.s32 $0x1  }
0xca: {  	_ =	sfence.sel $0xFFFF  }
0xcb: {  	[dreg:$0x0] =	wrdreg $0xFFFFFFFF;
	(pc) =	sbr.abs _section_cstart, $3  }
0xcc: {  	[dreg:$0x1] =	wrdreg $0xFFFFFFFF  }
0xcd: {  	_ =	task.clear_ibuf [dreg:s11], $0x2FFFF;
	_ =	strace $0x9FFFFFFF  }
0xce: {  	(tm) =	ssettm $0x7FFFFFFF  }
0xcf: {  	_ =	shalt  }
tec
execute0_lowered:
.L_overlay_start_1:
0x0: {  	(tag) =	ssettag $0x1  }
0x1: {  	s2 =	rddreg [dreg:$0x0]  }
0x2: {  	s3 =	rddreg [dreg:$0x1]  }
0x3: {  	s4 =	rddreg [dreg:$0x2]  }
0x4: {  	s5 =	rddreg [dreg:$0x3]  }
0x5: {  	s0 =	srdreg.scid;
	s6 =	rddreg [dreg:$0x4]  }
0x6: {  	s7 =	rddreg [dreg:$0x5];
	s0 =	sand.u32 $0x1, s0  }
0x7: {  	s1 =	stileid.u32;
	s8 =	simm.s32 $0x0;
	p0 =	seq.s32 s0, $0x1  }
0x8: {  	[smem:$0x7FF] =	sst s8;
	p1 =	sgt.u32 @!p0 s1, $0x3  }
0x9: {  	s0 =	rddreg [dreg:$0x6];
	p0 =	por p1, p0  }
0xa: {  	_ =	strace $0x80000047;
	s2 =	sadd.s32 @!p0 s2, s1;
	s8 =	simm.s32 @!p0 $0x0  }
0xb: {  	[tilespmem:s8], [sflag:$0x2] =	stream.linear.gather @!p0 [hbm4b:s2+s8], $0x8, $0x38;
	[tilespmem:$0x1180] =	vst v63  }
0xc: {  	s2 =	simm.s32 @!p0 $0x2  }
0xd: {  	_ =	swait.ge @!p0 [sflag:s2], $0x8  }
0xe: {  	[sflag:s2] =	ssyncset.done @!p0 $0x0  }
0xf: {  	[sflag:s2] =	ssyncadd.s32 @!p0 $0xFFFFFFF8  }
0x10: {  	v0 =	vld.msk @!p0 [tilespmem:$0x0], $0xff;
	_ =	sdelay $0x4  }
0x11: {  	v1 =	vshll.u32 @!p0 v0, $0x2  }
0x12: {  	v2 =	vlaneseq.u32 @!p0;
	v0 =	vand.u32 @!p0 $0x7, v0;
	v1 =	vand.u32 @!p0 $0xFFFFFFE0, v1  }
0x13: {  	v0 =	vor.u32 @!p0 v0, v1;
	v1 =	vand.u32 @!p0 $0x7, v2;
	v2 =	vshrl.u32 @!p0 v2, $0x3  }
0x14: {  	v0 =	vperm.xlane @!p0 v0, v1;
	v1 =	vmul.u32 @!p0 $0x8, v2;
	_ =	sdelay $0x1  }
0x15: {  	v0 =	vadd.s32 @!p0 v1, v0;
	_ =	sdelay $0x3  }
0x16: {  	vm0 =	vmmov @!p0 $0xffff;
	s9 =	simm.s32 @!p0 $0x80  }
0x17: {  	[tilespmem:s9], [sflag:$0x1] =	stream.indirect_vreg.gather @!p0 [hbm4b:s3+s8], $0x80, v0, vm0, $0xb8;
	[tilespmem:$0x1180] =	vst v63  }
0x18: {  	s10 =	simm.s32 @!p0 $0x880;
	s3 =	sadd.s32 @!p0 $0x100, s3  }
0x19: {  	[tilespmem:s10], [sflag:$0x1] =	stream.indirect_vreg.gather @!p0 [hbm4b:s3+s8], $0x80, v0, vm0, $0xb8;
	[tilespmem:$0x1180] =	vst v63  }
0x1a: {  	s3 =	simm.s32 @!p0 $0x1  }
0x1b: {  	_ =	swait.ge @!p0 [sflag:s3], $0x1000  }
0x1c: {  	s11 =	sshll.u32 @!p0 s1, $0x9;
	s10 =	sadd.s32 $0x2600, s6;
	[sflag:s3] =	ssyncset.done @!p0 $0x0  }
0x1d: {  	s10 =	sadd.s32 @!p0 s10, s11;
	[sflag:s3] =	ssyncadd.s32 @!p0 $0xFFFFF000  }
0x1e: {  	[hbm4b:s10+s8] =	stream.linear.scatter @!p0 [tilespmem:s9], [sflag:$0x2], $0x1000, $0x38;
	[tilespmem:$0x1180] =	vst v63  }
0x1f: {  	_ =	swait.ge @!p0 [sflag:s2], $0x1000  }
0x20: {  	[sflag:s2] =	ssyncset.done @!p0 $0x0  }
0x21: {  	s9 =	simm.s32 @!p0 $0x8;
	s10 =	simm.s32 @!p0 $0x1080;
	[sflag:s2] =	ssyncadd.s32 @!p0 $0xFFFFF000  }
0x22: {  	[tilespmem:s10], [sflag:$0x1] =	stream.indirect.gather @!p0 [hbm4b:s4+s9], $0x1, s8, s9, $0xb8;
	[tilespmem:$0x1180] =	vst v63  }
0x23: {  	_ =	swait.ge @!p0 [sflag:s3], $0x8  }
0x24: {  	[sflag:s3] =	ssyncset.done @!p0 $0x0  }
0x25: {  	s4 =	sadd.s32 @!p0 s7, s1;
	[sflag:s3] =	ssyncadd.s32 @!p0 $0xFFFFFFF8  }
0x26: {  	[hbm4b:s4+s8] =	stream.linear.scatter @!p0 [tilespmem:s10], [sflag:$0x2], $0x8, $0x38;
	[tilespmem:$0x1180] =	vst v63  }
0x27: {  	_ =	swait.ge @!p0 [sflag:s2], $0x8  }
0x28: {  	[sflag:s2] =	ssyncset.done @!p0 $0x0  }
0x29: {  	s4 =	simm.s32 @!p0 $0x1100;
	[sflag:s2] =	ssyncadd.s32 @!p0 $0xFFFFFFF8  }
0x2a: {  	[tilespmem:s4], [sflag:$0x1] =	stream.indirect.gather @!p0 [hbm4b:s5+s9], $0x1, s8, s9, $0xb8;
	[tilespmem:$0x1180] =	vst v63  }
0x2b: {  	_ =	swait.ge @!p0 [sflag:s3], $0x8  }
0x2c: {  	s5 =	sadd.s32 $0x2E00, s6;
	[sflag:s3] =	ssyncset.done @!p0 $0x0  }
0x2d: {  	s5 =	sadd.s32 @!p0 s5, s1;
	[sflag:s3] =	ssyncadd.s32 @!p0 $0xFFFFFFF8  }
0x2e: {  	[hbm4b:s5+s8] =	stream.linear.scatter @!p0 [tilespmem:s4], [sflag:$0x2], $0x8, $0x38;
	[tilespmem:$0x1180] =	vst v63  }
0x2f: {  	_ =	swait.ge @!p0 [sflag:s2], $0x8  }
0x30: {  	[sflag:s2] =	ssyncset.done @!p0 $0x0  }
0x31: {  	[sflag:s2] =	ssyncadd.s32 @!p0 $0xFFFFFFF8  }
0x32: {  	_ =	sfence.sel $0x180000  }
0x33: {  	[bflag:$0x0] =	sbarrier.arrive $0xFFFF  }
0x34: {  	p0 =	sne.s32 s1, $0x0;
	_ =	strace $0x90000047  }
0x35: {  	s0 =	sadd.s32 @!p0 $0x100000, s0;
	[bflag:$0x2] =	sbarrier.arrive $0xFFFF  }
0x36: {  	[sflag:s0] =	ssyncadd.tile.s32 @!p0 $0x1;
	_ =	shalt  }
.Lfunc_end2:
_tile_overlayer_lowered:
.L_overlay_start_2:
0x37: {  	(tag) =	ssettag $0x2  }
0x38: {  	s0 =	rddreg [dreg:$0x0];
	s2 =	stileid.u32  }
0x39: {  	s1 =	rddreg [dreg:$0x1];
	p0 =	sne.s32 s2, $0x0  }
0x3a: {  	s3 =	rddreg [dreg:$0x2];
	[bflag:$0x3] =	sbarrier.arrive $0xFFFF;
	s2 =	simm.s32 @!p0 $0x1C02  }
0x3b: {  	[timem:s3], [sflag:s2] =	dma.local @!p0 [hbm:s0], s1  }
0x3c: {  	s0 =	simm.s32 @!p0 $0x2  }
0x3d: {  	_ =	swait.ge @!p0 [sflag:s0], s1  }
0x3e: {  	s1 =	ssub.s32 @!p0 $0x0, s1;
	[sflag:s0] =	ssyncset.done @!p0 $0x0  }
0x3f: {  	[sflag:s0] =	ssyncadd.s32 @!p0 s1  }
0x40: {  	[bflag:$0x3] =	sbarrier.arrive $0xFFFF  }
0x41: {  	_ =	shalt  }

</sc_bundles>
